<compile_context>
chip_gen: v7x
topology: tpu7x:2x2x1
jax: 0.10.2.dev20260603
libtpu: 0.0.44.dev20260713+nightly
codegen_flags: <defaults>
</compile_context>

<pallas_src>
import functools

import jax
import jax.numpy as jnp
from jax import lax
from jax.experimental import pallas as pl
from jax.experimental.pallas import tpu as pltpu
from jax.experimental.pallas import tpu_sc as plsc

DIMS = 1024
NUM_IDX = 4 * 8192
NC, NS = 2, 16
NW = NC * NS
B_PER_W = NUM_IDX // NW
CHUNK = 32
N_CHUNKS = B_PER_W // CHUNK


@functools.partial(
    pl.kernel,
    out_type=jax.ShapeDtypeStruct((NUM_IDX, DIMS), jnp.float32),
    mesh=plsc.VectorSubcoreMesh(
        core_axis_name="c", subcore_axis_name="s", num_cores=NC,
        num_subcores=NS),
    scratch_types=[
        pltpu.VMEM((B_PER_W,), jnp.int32),
        pltpu.VMEM((2, CHUNK, DIMS), jnp.float32),
        pltpu.SemaphoreType.DMA,
        pltpu.SemaphoreType.DMA,
        pltpu.SemaphoreType.DMA,
    ],
)
def _sc_gather(idx_hbm, table_hbm, out_hbm, idx_v, rows_v, gsem0, gsem1,
               ssem):
    wid = lax.axis_index("s") * NC + lax.axis_index("c")
    base = wid * B_PER_W
    pltpu.sync_copy(idx_hbm.at[pl.ds(base, B_PER_W)], idx_v)

    gsems = (gsem0, gsem1)

    def start_gather(g, buf):
        return pltpu.async_copy(
            table_hbm.at[idx_v.at[pl.ds(g * CHUNK, CHUNK)]],
            rows_v.at[buf], gsems[buf])

    start_gather(0, 0)
    start_gather(1, 1)

    def body(g, _):
        buf = lax.rem(g, 2)

        @pl.when(buf == 0)
        def _():
            pltpu.make_async_copy(
                table_hbm.at[idx_v.at[pl.ds(0, CHUNK)]],
                rows_v.at[0], gsem0).wait()
            pltpu.async_copy(rows_v.at[0],
                             out_hbm.at[pl.ds(base + g * CHUNK, CHUNK)],
                             ssem).wait()

            @pl.when(g + 2 < N_CHUNKS)
            def _():
                start_gather(g + 2, 0)

        @pl.when(buf == 1)
        def _():
            pltpu.make_async_copy(
                table_hbm.at[idx_v.at[pl.ds(0, CHUNK)]],
                rows_v.at[1], gsem1).wait()
            pltpu.async_copy(rows_v.at[1],
                             out_hbm.at[pl.ds(base + g * CHUNK, CHUNK)],
                             ssem).wait()

            @pl.when(g + 2 < N_CHUNKS)
            def _():
                start_gather(g + 2, 1)

        return 0

    lax.fori_loop(0, N_CHUNKS, body, 0)


def kernel(pos, pos_embedding):
    idx = pos.reshape(-1).astype(jnp.int32)
    out = _sc_gather(idx, pos_embedding)
    return out.reshape(pos.shape + (DIMS,))

# --- scband reference (transcript-rebuilt; emitter-appended) ---
"""Pipeline reference for scband-sin-cos-position-embedding-8297876816014 (READ-ONLY COPY).

The authoritative reference and input builder live on the scoring server;
editing this copy changes nothing except your own understanding.
"""

import jax, jax.numpy as jnp
import numpy as np

DIMS = 1024
LEN_N = 8192

def _build_pos_embedding(dims, len_n):
    k = jnp.arange(0, len_n, dtype=jnp.float32)[:, None]
    denom = jnp.exp(jnp.arange(0, dims, 2, dtype=jnp.float32) * (-jnp.log(jnp.float32(1000.0)) / dims))
    table = jnp.zeros((len_n, dims), dtype=jnp.float32)
    table = table.at[:, ::2].set(jnp.sin(k * denom))
    table = table.at[:, 1::2].set(jnp.cos(k * denom))
    return table

def setup_inputs(seed: int = 0) -> dict:
    key = jax.random.key(seed)
    pos = jax.random.randint(key, (4, 8192), 0, LEN_N, dtype=jnp.int64 if jax.config.jax_enable_x64 else jnp.int32)
    pos_embedding = _build_pos_embedding(DIMS, LEN_N)
    return {"pos": pos, "pos_embedding": pos_embedding}

def reference(pos, pos_embedding):
    # Faithful to SinCosPositionEmbedding.get_embedding: table row gather
    return jnp.take(pos_embedding, pos, axis=0)

if __name__ == "__main__":
    import jax
    _d = setup_inputs()
    print(jax.jit(kernel)(*tuple(_d.values())))

</pallas_src>

<mosaic_0001>
#map = affine_map<(d0, d1) -> (0)>
#map1 = affine_map<(d0, d1) -> (0, 0)>
module attributes {stable_mosaic.version = 14 : i64} {
  func.func @_sc_gather(%arg0: i32, %arg1: i32, %arg2: memref<32768xi32, #tpu.memory_space<hbm>>, %arg3: memref<8192x1024xf32, #tpu.memory_space<hbm>>, %arg4: memref<32768x1024xf32, #tpu.memory_space<hbm>>, %arg5: memref<1024xi32, #tpu.memory_space<vmem>>, %arg6: memref<2x32x1024xf32, #tpu.memory_space<vmem>>, %arg7: memref<!tpu.dma_semaphore, #tpu.memory_space<semaphore_mem>>, %arg8: memref<!tpu.dma_semaphore, #tpu.memory_space<semaphore_mem>>, %arg9: memref<!tpu.dma_semaphore, #tpu.memory_space<semaphore_mem>>) attributes {dimension_semantics = [#tpu.dimension_semantics<core_parallel>, #tpu.dimension_semantics<subcore_parallel>], iteration_bounds = array<i64: 2, 16>, scalar_prefetch = 0 : i64, scratch_operands = 5 : i64, tpu.core_type = #tpu.core_type<sc_vector_subcore>, window_params = [{transform_indices = #map}, {transform_indices = #map1}, {transform_indices = #map1}]} {
    %mul3A = arith.constant 2 : i32
    %mul3A_0 = arith.muli %arg1, %mul3A : i32
    %add3A = arith.addi %mul3A_0, %arg0 : i32
    %mul3A_1 = arith.constant 1024 : i32
    %mul3A_2 = arith.muli %add3A, %mul3A_1 : i32
    "tpu.region"() ({
      %run_scoped3A = tpu.sem_alloc : memref<!tpu.dma_semaphore, #tpu.memory_space<semaphore_mem>>
      %dma_start3A_28 = tpu.memref_slice %arg2[%mul3A_2] : memref<32768xi32, #tpu.memory_space<hbm>> -> memref<1024xi32, #tpu.memory_space<hbm>>
      %dma_start3A_29 = tpu.memref_slice %arg2[%mul3A_2] : memref<32768xi32, #tpu.memory_space<hbm>> -> memref<1024xi32, #tpu.memory_space<hbm>>
      tpu.enqueue_dma source(%dma_start3A_29 : memref<1024xi32, #tpu.memory_space<hbm>>) target(%arg5 : memref<1024xi32, #tpu.memory_space<vmem>>) target_semaphore(%run_scoped3A : memref<!tpu.dma_semaphore, #tpu.memory_space<semaphore_mem>>)
      %dma_wait3A = tpu.memref_slice %arg2[%mul3A_2] : memref<32768xi32, #tpu.memory_space<hbm>> -> memref<1024xi32, #tpu.memory_space<hbm>>
      %dma_wait3A_30 = tpu.memref_slice %arg2[%mul3A_2] : memref<32768xi32, #tpu.memory_space<hbm>> -> memref<1024xi32, #tpu.memory_space<hbm>>
      tpu.wait_dma2 semaphore(%run_scoped3A : memref<!tpu.dma_semaphore, #tpu.memory_space<semaphore_mem>>) src(%dma_wait3A_30 : memref<1024xi32, #tpu.memory_space<hbm>>) dst(%arg5 : memref<1024xi32, #tpu.memory_space<vmem>>)
      tpu.yield
    }) : () -> ()
    %dma_start3A = arith.constant 0 : i32
    %dma_start3A_3 = arith.constant 0 : i32
    %dma_start3A_4 = arith.constant 0 : i32
    %dma_start3A_5 = tpu.memref_slice %arg6[%dma_start3A, %dma_start3A_3, %dma_start3A_4] : memref<2x32x1024xf32, #tpu.memory_space<vmem>> -> memref<1x32x1024xf32, #tpu.memory_space<vmem>>
    %dma_start3A_6 = tpu.memref_squeeze %dma_start3A_5 : memref<1x32x1024xf32, #tpu.memory_space<vmem>> -> memref<32x1024xf32, #tpu.memory_space<vmem>>
    %dma_start3A_7 = arith.constant 0 : i32
    %dma_start3A_8 = tpu.memref_slice %arg5[%dma_start3A_7] : memref<1024xi32, #tpu.memory_space<vmem>> -> memref<32xi32, #tpu.memory_space<vmem>>
    %dma_start3A_9 = arith.constant 0 : i32
    %dma_start3A_10 = arith.constant 0 : i32
    %dma_start3A_11 = tpu.memref_slice %arg3[%dma_start3A_9, %dma_start3A_10] : memref<8192x1024xf32, #tpu.memory_space<hbm>> -> memref<8192x1024xf32, #tpu.memory_space<hbm>>
    tpu.enqueue_indirect_dma source(%dma_start3A_11 : memref<8192x1024xf32, #tpu.memory_space<hbm>>) target(%dma_start3A_6 : memref<32x1024xf32, #tpu.memory_space<vmem>>) offsets(%dma_start3A_8 : memref<32xi32, #tpu.memory_space<vmem>>) semaphore(%arg7 : memref<!tpu.dma_semaphore, #tpu.memory_space<semaphore_mem>>)
    %dma_start3A_12 = arith.constant 1 : i32
    %dma_start3A_13 = arith.constant 0 : i32
    %dma_start3A_14 = arith.constant 0 : i32
    %dma_start3A_15 = tpu.memref_slice %arg6[%dma_start3A_12, %dma_start3A_13, %dma_start3A_14] : memref<2x32x1024xf32, #tpu.memory_space<vmem>> -> memref<1x32x1024xf32, #tpu.memory_space<vmem>>
    %dma_start3A_16 = tpu.memref_squeeze %dma_start3A_15 : memref<1x32x1024xf32, #tpu.memory_space<vmem>> -> memref<32x1024xf32, #tpu.memory_space<vmem>>
    %dma_start3A_17 = arith.constant 32 : i32
    %dma_start3A_18 = tpu.memref_slice %arg5[%dma_start3A_17] : memref<1024xi32, #tpu.memory_space<vmem>> -> memref<32xi32, #tpu.memory_space<vmem>>
    %dma_start3A_19 = arith.constant 0 : i32
    %dma_start3A_20 = arith.constant 0 : i32
    %dma_start3A_21 = tpu.memref_slice %arg3[%dma_start3A_19, %dma_start3A_20] : memref<8192x1024xf32, #tpu.memory_space<hbm>> -> memref<8192x1024xf32, #tpu.memory_space<hbm>>
    tpu.enqueue_indirect_dma source(%dma_start3A_21 : memref<8192x1024xf32, #tpu.memory_space<hbm>>) target(%dma_start3A_16 : memref<32x1024xf32, #tpu.memory_space<vmem>>) offsets(%dma_start3A_18 : memref<32xi32, #tpu.memory_space<vmem>>) semaphore(%arg8 : memref<!tpu.dma_semaphore, #tpu.memory_space<semaphore_mem>>)
    %scan3A = arith.constant 0 : i32
    %scan3A_22 = arith.constant 0 : i32
    %scan3A_23 = arith.constant 32 : i32
    %scan3A_24 = arith.addi %scan3A_22, %scan3A_23 : i32
    %scan3A_25 = arith.constant 1 : i32
    %scan3A_26 = scf.for %scan3A_28 = %scan3A_22 to %scan3A_24 step %scan3A_25 iter_args(%scan3A_29 = %scan3A) -> (i32)  : i32 {
      %rem3A = arith.constant 2 : i32
      %rem3A_30 = arith.remsi %scan3A_28, %rem3A : i32
      %eq3A = arith.constant 0 : i32
      %eq3A_31 = arith.cmpi eq, %rem3A_30, %eq3A : i32
      %convert_element_type3A = arith.extui %eq3A_31 : i1 to i32
      %cond3A = arith.constant 0 : i32
      %cond3A_32 = arith.cmpi ne, %convert_element_type3A, %cond3A : i32
      scf.if %cond3A_32 {
        %dma_wait3A = arith.constant 0 : i32
        %dma_wait3A_39 = arith.constant 0 : i32
        %dma_wait3A_40 = arith.constant 0 : i32
        %dma_wait3A_41 = tpu.memref_slice %arg6[%dma_wait3A, %dma_wait3A_39, %dma_wait3A_40] : memref<2x32x1024xf32, #tpu.memory_space<vmem>> -> memref<1x32x1024xf32, #tpu.memory_space<vmem>>
        %dma_wait3A_42 = tpu.memref_squeeze %dma_wait3A_41 : memref<1x32x1024xf32, #tpu.memory_space<vmem>> -> memref<32x1024xf32, #tpu.memory_space<vmem>>
        %dma_wait3A_43 = arith.constant 0 : i32
        %dma_wait3A_44 = tpu.memref_slice %arg5[%dma_wait3A_43] : memref<1024xi32, #tpu.memory_space<vmem>> -> memref<32xi32, #tpu.memory_space<vmem>>
        %dma_wait3A_45 = arith.constant 0 : i32
        %dma_wait3A_46 = arith.constant 0 : i32
        %dma_wait3A_47 = tpu.memref_slice %arg3[%dma_wait3A_45, %dma_wait3A_46] : memref<8192x1024xf32, #tpu.memory_space<hbm>> -> memref<8192x1024xf32, #tpu.memory_space<hbm>>
        tpu.wait_indirect_dma semaphore(%arg7 : memref<!tpu.dma_semaphore, #tpu.memory_space<semaphore_mem>>) src(%dma_wait3A_47 : memref<8192x1024xf32, #tpu.memory_space<hbm>>) dst(%dma_wait3A_42 : memref<32x1024xf32, #tpu.memory_space<vmem>>)
        %mul3A_48 = arith.constant 32 : i32
        %mul3A_49 = arith.muli %scan3A_28, %mul3A_48 : i32
        %add3A_50 = arith.addi %mul3A_2, %mul3A_49 : i32
        %dma_start3A_51 = arith.constant 0 : i32
        %dma_start3A_52 = arith.constant 0 : i32
        %dma_start3A_53 = arith.constant 0 : i32
        %dma_start3A_54 = tpu.memref_slice %arg6[%dma_start3A_51, %dma_start3A_52, %dma_start3A_53] : memref<2x32x1024xf32, #tpu.memory_space<vmem>> -> memref<1x32x1024xf32, #tpu.memory_space<vmem>>
        %dma_start3A_55 = tpu.memref_squeeze %dma_start3A_54 : memref<1x32x1024xf32, #tpu.memory_space<vmem>> -> memref<32x1024xf32, #tpu.memory_space<vmem>>
        %dma_start3A_56 = arith.constant 0 : i32
        %dma_start3A_57 = tpu.memref_slice %arg4[%add3A_50, %dma_start3A_56] : memref<32768x1024xf32, #tpu.memory_space<hbm>> -> memref<32x1024xf32, #tpu.memory_space<hbm>>
        %dma_start3A_58 = arith.constant 0 : i32
        %dma_start3A_59 = tpu.memref_slice %arg4[%add3A_50, %dma_start3A_58] : memref<32768x1024xf32, #tpu.memory_space<hbm>> -> memref<32x1024xf32, #tpu.memory_space<hbm>>
        %dma_start3A_60 = arith.constant 0 : i32
        %dma_start3A_61 = arith.constant 0 : i32
        %dma_start3A_62 = tpu.memref_slice %arg6[%dma_start3A_51, %dma_start3A_60, %dma_start3A_61] : memref<2x32x1024xf32, #tpu.memory_space<vmem>> -> memref<1x32x1024xf32, #tpu.memory_space<vmem>>
        %dma_start3A_63 = tpu.memref_squeeze %dma_start3A_62 : memref<1x32x1024xf32, #tpu.memory_space<vmem>> -> memref<32x1024xf32, #tpu.memory_space<vmem>>
        tpu.enqueue_dma source(%dma_start3A_63 : memref<32x1024xf32, #tpu.memory_space<vmem>>) target(%dma_start3A_59 : memref<32x1024xf32, #tpu.memory_space<hbm>>) target_semaphore(%arg9 : memref<!tpu.dma_semaphore, #tpu.memory_space<semaphore_mem>>)
        %dma_wait3A_64 = arith.constant 0 : i32
        %dma_wait3A_65 = arith.constant 0 : i32
        %dma_wait3A_66 = arith.constant 0 : i32
        %dma_wait3A_67 = tpu.memref_slice %arg6[%dma_wait3A_64, %dma_wait3A_65, %dma_wait3A_66] : memref<2x32x1024xf32, #tpu.memory_space<vmem>> -> memref<1x32x1024xf32, #tpu.memory_space<vmem>>
        %dma_wait3A_68 = tpu.memref_squeeze %dma_wait3A_67 : memref<1x32x1024xf32, #tpu.memory_space<vmem>> -> memref<32x1024xf32, #tpu.memory_space<vmem>>
        %dma_wait3A_69 = arith.constant 0 : i32
        %dma_wait3A_70 = tpu.memref_slice %arg4[%add3A_50, %dma_wait3A_69] : memref<32768x1024xf32, #tpu.memory_space<hbm>> -> memref<32x1024xf32, #tpu.memory_space<hbm>>
        %dma_wait3A_71 = arith.constant 0 : i32
        %dma_wait3A_72 = tpu.memref_slice %arg4[%add3A_50, %dma_wait3A_71] : memref<32768x1024xf32, #tpu.memory_space<hbm>> -> memref<32x1024xf32, #tpu.memory_space<hbm>>
        %dma_wait3A_73 = arith.constant 0 : i32
        %dma_wait3A_74 = arith.constant 0 : i32
        %dma_wait3A_75 = tpu.memref_slice %arg6[%dma_wait3A_64, %dma_wait3A_73, %dma_wait3A_74] : memref<2x32x1024xf32, #tpu.memory_space<vmem>> -> memref<1x32x1024xf32, #tpu.memory_space<vmem>>
        %dma_wait3A_76 = tpu.memref_squeeze %dma_wait3A_75 : memref<1x32x1024xf32, #tpu.memory_space<vmem>> -> memref<32x1024xf32, #tpu.memory_space<vmem>>
        tpu.wait_dma2 semaphore(%arg9 : memref<!tpu.dma_semaphore, #tpu.memory_space<semaphore_mem>>) src(%dma_wait3A_76 : memref<32x1024xf32, #tpu.memory_space<vmem>>) dst(%dma_wait3A_72 : memref<32x1024xf32, #tpu.memory_space<hbm>>)
        %add3A_77 = arith.constant 2 : i32
        %add3A_78 = arith.addi %scan3A_28, %add3A_77 : i32
        %lt3A = arith.constant 32 : i32
        %lt3A_79 = arith.cmpi slt, %add3A_78, %lt3A : i32
        %convert_element_type3A_80 = arith.extui %lt3A_79 : i1 to i32
        %cond3A_81 = arith.constant 0 : i32
        %cond3A_82 = arith.cmpi ne, %convert_element_type3A_80, %cond3A_81 : i32
        scf.if %cond3A_82 {
          %add3A_83 = arith.constant 2 : i32
          %add3A_84 = arith.addi %scan3A_28, %add3A_83 : i32
          %mul3A_85 = arith.constant 32 : i32
          %mul3A_86 = arith.muli %add3A_84, %mul3A_85 : i32
          %dma_start3A_87 = arith.constant 0 : i32
          %dma_start3A_88 = arith.constant 0 : i32
          %dma_start3A_89 = arith.constant 0 : i32
          %dma_start3A_90 = tpu.memref_slice %arg6[%dma_start3A_87, %dma_start3A_88, %dma_start3A_89] : memref<2x32x1024xf32, #tpu.memory_space<vmem>> -> memref<1x32x1024xf32, #tpu.memory_space<vmem>>
          %dma_start3A_91 = tpu.memref_squeeze %dma_start3A_90 : memref<1x32x1024xf32, #tpu.memory_space<vmem>> -> memref<32x1024xf32, #tpu.memory_space<vmem>>
          %dma_start3A_92 = tpu.memref_slice %arg5[%mul3A_86] : memref<1024xi32, #tpu.memory_space<vmem>> -> memref<32xi32, #tpu.memory_space<vmem>>
          %dma_start3A_93 = arith.constant 0 : i32
          %dma_start3A_94 = arith.constant 0 : i32
          %dma_start3A_95 = tpu.memref_slice %arg3[%dma_start3A_93, %dma_start3A_94] : memref<8192x1024xf32, #tpu.memory_space<hbm>> -> memref<8192x1024xf32, #tpu.memory_space<hbm>>
          tpu.enqueue_indirect_dma source(%dma_start3A_95 : memref<8192x1024xf32, #tpu.memory_space<hbm>>) target(%dma_start3A_91 : memref<32x1024xf32, #tpu.memory_space<vmem>>) offsets(%dma_start3A_92 : memref<32xi32, #tpu.memory_space<vmem>>) semaphore(%arg7 : memref<!tpu.dma_semaphore, #tpu.memory_space<semaphore_mem>>)
        } else {
        }
      } else {
      }
      %eq3A_33 = arith.constant 1 : i32
      %eq3A_34 = arith.cmpi eq, %rem3A_30, %eq3A_33 : i32
      %convert_element_type3A_35 = arith.extui %eq3A_34 : i1 to i32
      %cond3A_36 = arith.constant 0 : i32
      %cond3A_37 = arith.cmpi ne, %convert_element_type3A_35, %cond3A_36 : i32
      scf.if %cond3A_37 {
        %dma_wait3A = arith.constant 1 : i32
        %dma_wait3A_39 = arith.constant 0 : i32
        %dma_wait3A_40 = arith.constant 0 : i32
        %dma_wait3A_41 = tpu.memref_slice %arg6[%dma_wait3A, %dma_wait3A_39, %dma_wait3A_40] : memref<2x32x1024xf32, #tpu.memory_space<vmem>> -> memref<1x32x1024xf32, #tpu.memory_space<vmem>>
        %dma_wait3A_42 = tpu.memref_squeeze %dma_wait3A_41 : memref<1x32x1024xf32, #tpu.memory_space<vmem>> -> memref<32x1024xf32, #tpu.memory_space<vmem>>
        %dma_wait3A_43 = arith.constant 0 : i32
        %dma_wait3A_44 = tpu.memref_slice %arg5[%dma_wait3A_43] : memref<1024xi32, #tpu.memory_space<vmem>> -> memref<32xi32, #tpu.memory_space<vmem>>
        %dma_wait3A_45 = arith.constant 0 : i32
        %dma_wait3A_46 = arith.constant 0 : i32
        %dma_wait3A_47 = tpu.memref_slice %arg3[%dma_wait3A_45, %dma_wait3A_46] : memref<8192x1024xf32, #tpu.memory_space<hbm>> -> memref<8192x1024xf32, #tpu.memory_space<hbm>>
        tpu.wait_indirect_dma semaphore(%arg8 : memref<!tpu.dma_semaphore, #tpu.memory_space<semaphore_mem>>) src(%dma_wait3A_47 : memref<8192x1024xf32, #tpu.memory_space<hbm>>) dst(%dma_wait3A_42 : memref<32x1024xf32, #tpu.memory_space<vmem>>)
        %mul3A_48 = arith.constant 32 : i32
        %mul3A_49 = arith.muli %scan3A_28, %mul3A_48 : i32
        %add3A_50 = arith.addi %mul3A_2, %mul3A_49 : i32
        %dma_start3A_51 = arith.constant 1 : i32
        %dma_start3A_52 = arith.constant 0 : i32
        %dma_start3A_53 = arith.constant 0 : i32
        %dma_start3A_54 = tpu.memref_slice %arg6[%dma_start3A_51, %dma_start3A_52, %dma_start3A_53] : memref<2x32x1024xf32, #tpu.memory_space<vmem>> -> memref<1x32x1024xf32, #tpu.memory_space<vmem>>
        %dma_start3A_55 = tpu.memref_squeeze %dma_start3A_54 : memref<1x32x1024xf32, #tpu.memory_space<vmem>> -> memref<32x1024xf32, #tpu.memory_space<vmem>>
        %dma_start3A_56 = arith.constant 0 : i32
        %dma_start3A_57 = tpu.memref_slice %arg4[%add3A_50, %dma_start3A_56] : memref<32768x1024xf32, #tpu.memory_space<hbm>> -> memref<32x1024xf32, #tpu.memory_space<hbm>>
        %dma_start3A_58 = arith.constant 0 : i32
        %dma_start3A_59 = tpu.memref_slice %arg4[%add3A_50, %dma_start3A_58] : memref<32768x1024xf32, #tpu.memory_space<hbm>> -> memref<32x1024xf32, #tpu.memory_space<hbm>>
        %dma_start3A_60 = arith.constant 0 : i32
        %dma_start3A_61 = arith.constant 0 : i32
        %dma_start3A_62 = tpu.memref_slice %arg6[%dma_start3A_51, %dma_start3A_60, %dma_start3A_61] : memref<2x32x1024xf32, #tpu.memory_space<vmem>> -> memref<1x32x1024xf32, #tpu.memory_space<vmem>>
        %dma_start3A_63 = tpu.memref_squeeze %dma_start3A_62 : memref<1x32x1024xf32, #tpu.memory_space<vmem>> -> memref<32x1024xf32, #tpu.memory_space<vmem>>
        tpu.enqueue_dma source(%dma_start3A_63 : memref<32x1024xf32, #tpu.memory_space<vmem>>) target(%dma_start3A_59 : memref<32x1024xf32, #tpu.memory_space<hbm>>) target_semaphore(%arg9 : memref<!tpu.dma_semaphore, #tpu.memory_space<semaphore_mem>>)
        %dma_wait3A_64 = arith.constant 1 : i32
        %dma_wait3A_65 = arith.constant 0 : i32
        %dma_wait3A_66 = arith.constant 0 : i32
        %dma_wait3A_67 = tpu.memref_slice %arg6[%dma_wait3A_64, %dma_wait3A_65, %dma_wait3A_66] : memref<2x32x1024xf32, #tpu.memory_space<vmem>> -> memref<1x32x1024xf32, #tpu.memory_space<vmem>>
        %dma_wait3A_68 = tpu.memref_squeeze %dma_wait3A_67 : memref<1x32x1024xf32, #tpu.memory_space<vmem>> -> memref<32x1024xf32, #tpu.memory_space<vmem>>
        %dma_wait3A_69 = arith.constant 0 : i32
        %dma_wait3A_70 = tpu.memref_slice %arg4[%add3A_50, %dma_wait3A_69] : memref<32768x1024xf32, #tpu.memory_space<hbm>> -> memref<32x1024xf32, #tpu.memory_space<hbm>>
        %dma_wait3A_71 = arith.constant 0 : i32
        %dma_wait3A_72 = tpu.memref_slice %arg4[%add3A_50, %dma_wait3A_71] : memref<32768x1024xf32, #tpu.memory_space<hbm>> -> memref<32x1024xf32, #tpu.memory_space<hbm>>
        %dma_wait3A_73 = arith.constant 0 : i32
        %dma_wait3A_74 = arith.constant 0 : i32
        %dma_wait3A_75 = tpu.memref_slice %arg6[%dma_wait3A_64, %dma_wait3A_73, %dma_wait3A_74] : memref<2x32x1024xf32, #tpu.memory_space<vmem>> -> memref<1x32x1024xf32, #tpu.memory_space<vmem>>
        %dma_wait3A_76 = tpu.memref_squeeze %dma_wait3A_75 : memref<1x32x1024xf32, #tpu.memory_space<vmem>> -> memref<32x1024xf32, #tpu.memory_space<vmem>>
        tpu.wait_dma2 semaphore(%arg9 : memref<!tpu.dma_semaphore, #tpu.memory_space<semaphore_mem>>) src(%dma_wait3A_76 : memref<32x1024xf32, #tpu.memory_space<vmem>>) dst(%dma_wait3A_72 : memref<32x1024xf32, #tpu.memory_space<hbm>>)
        %add3A_77 = arith.constant 2 : i32
        %add3A_78 = arith.addi %scan3A_28, %add3A_77 : i32
        %lt3A = arith.constant 32 : i32
        %lt3A_79 = arith.cmpi slt, %add3A_78, %lt3A : i32
        %convert_element_type3A_80 = arith.extui %lt3A_79 : i1 to i32
        %cond3A_81 = arith.constant 0 : i32
        %cond3A_82 = arith.cmpi ne, %convert_element_type3A_80, %cond3A_81 : i32
        scf.if %cond3A_82 {
          %add3A_83 = arith.constant 2 : i32
          %add3A_84 = arith.addi %scan3A_28, %add3A_83 : i32
          %mul3A_85 = arith.constant 32 : i32
          %mul3A_86 = arith.muli %add3A_84, %mul3A_85 : i32
          %dma_start3A_87 = arith.constant 1 : i32
          %dma_start3A_88 = arith.constant 0 : i32
          %dma_start3A_89 = arith.constant 0 : i32
          %dma_start3A_90 = tpu.memref_slice %arg6[%dma_start3A_87, %dma_start3A_88, %dma_start3A_89] : memref<2x32x1024xf32, #tpu.memory_space<vmem>> -> memref<1x32x1024xf32, #tpu.memory_space<vmem>>
          %dma_start3A_91 = tpu.memref_squeeze %dma_start3A_90 : memref<1x32x1024xf32, #tpu.memory_space<vmem>> -> memref<32x1024xf32, #tpu.memory_space<vmem>>
          %dma_start3A_92 = tpu.memref_slice %arg5[%mul3A_86] : memref<1024xi32, #tpu.memory_space<vmem>> -> memref<32xi32, #tpu.memory_space<vmem>>
          %dma_start3A_93 = arith.constant 0 : i32
          %dma_start3A_94 = arith.constant 0 : i32
          %dma_start3A_95 = tpu.memref_slice %arg3[%dma_start3A_93, %dma_start3A_94] : memref<8192x1024xf32, #tpu.memory_space<hbm>> -> memref<8192x1024xf32, #tpu.memory_space<hbm>>
          tpu.enqueue_indirect_dma source(%dma_start3A_95 : memref<8192x1024xf32, #tpu.memory_space<hbm>>) target(%dma_start3A_91 : memref<32x1024xf32, #tpu.memory_space<vmem>>) offsets(%dma_start3A_92 : memref<32xi32, #tpu.memory_space<vmem>>) semaphore(%arg8 : memref<!tpu.dma_semaphore, #tpu.memory_space<semaphore_mem>>)
        } else {
        }
      } else {
      }
      %scan3A_38 = arith.constant 0 : i32
      scf.yield %scan3A_38 : i32
    }
    %scan3A_27 = arith.constant 32 : i32
    return
  }
}

</mosaic_0001>

<sc_bundles>
// kernel: kernel.3.cloned.1.call-start
scs
__scs_entry_jumppad:
0x0: {  	(pc) =	sbr.rel $0x88, $3  }
0x1: {  	(tag) =	ssettag $0x0;
	lr =	simm.s32 $0x1  }
0x2: {  	[smem:$0x3F9F] =	sst lr;
	_ =	strace $0xD0000000  }
0x3: {  	_ = 	snop  }
0x4: {  	_ = 	snop  }
0x5: {  	_ = 	snop  }
0x6: {  	_ = 	snop  }
0x7: {  	_ = 	snop  }
__scs_overlays_trampoline_lowered:
0x8: {  	[smem:$0x3FAE] =	sst s0  }
0x9: {  	[smem:$0x3FAF] =	sst s1  }
0xa: {  	[smem:$0x3FB0] =	sst s2  }
0xb: {  	[smem:$0x3FB1] =	sst s3  }
0xc: {  	[smem:$0x3FB2] =	sst s4  }
0xd: {  	[smem:$0x3FB3] =	sst s5  }
0xe: {  	[smem:$0x3FB4] =	sst s6  }
0xf: {  	[smem:$0x3FB5] =	sst s7  }
0x10: {  	[smem:$0x3FB6] =	sst s8  }
0x11: {  	[smem:$0x3FB7] =	sst s9;
	s0 =	simm.s32 @!p0 $0x0  }
0x12: {  	s1 =	sld [smem:$0x3F9D];
	s0 =	simm.s32 @p0 $0x1  }
0x13: {  	[smem:$0x3FB8] =	sst s0;
	s0 =	simm.s32 @!p1 $0x0  }
0x14: {  	s2 =	sld [smem:$0x3F9C];
	s0 =	simm.s32 @p1 $0x1  }
0x15: {  	[smem:$0x3FB9] =	sst s0;
	s0 =	simm.s32 @!p2 $0x0  }
0x16: {  	s3 =	sld [smem:$0x3FDB];
	s0 =	simm.s32 @p2 $0x1  }
0x17: {  	s4 =	simm.s32 $0x1BF5;
	[smem:$0x3FBB] =	sst s0  }
0x18: {  	s0 =	sld [smem:$0x3F9E];
	_ =	swait.ge [sflag:s4], $0x0  }
0x19: {  	s7 =	sld [smem:$0x3F9F]  }
0x1a: {  	s8 =	sadd.s32 $0xFFFFE003, lr  }
0x1b: {  	s9 =	sadd.s32 $0xFFFFFEF7, lr;
	s5 =	simm.s32 $0xFFFFFFFF;
	p2 =	slt.u32 s8, $0xFFFFF086  }
0x1c: {  	p1 =	slt.u32 s9, $0xF7A;
	s5 =	simm.s32 @!p2 $0x0  }
0x1d: {  	s5 =	simm.s32 @p1 $0x1;
	p0 =	seq.s32 s7, s2  }
0x1e: {  	s7 =	smul.u32 @!p0 $0xF7A, s2;
	p2 =	seq.s32 @!p0 s5, $0x0  }
0x1f: {  	s9 =	smul.u32 $0xF7A, s1;
	s8 =	simm.s32 @!p0 $0x1BF5;
	p2 =	por !p2, p0  }
0x20: {  	[sflag:s8] =	ssyncset.s32 @!p0 $0xFFFFF086;
	s6 =	sadd.s32 @!p0 s3, s7;
	s7 =	simm.s32 @!p0 $0x108  }
0x21: {  	s3 =	sadd.s32 s3, s9;
	s6 =	sadd.s32 @!p0 $0x88, s6;
	s7 =	simm.s32 @p2 $0x1082  }
0x22: {  	[simem:s7], [sflag:s8] =	dma.local @!p0 [hbm:s6], $0xF7A  }
0x23: {  	s9 =	sor.u32 $0xD0000000, s2;
	s6 =	simm.s32 $0x108;
	_ =	swait.ge @!p0 [sflag:s8], $0x0  }
0x24: {  	s3 =	sadd.s32 $0x88, s3;
	s6 =	simm.s32 @!p1 $0x1082;
	[sflag:s4] =	ssyncset.s32 $0xFFFFF086  }
0x25: {  	[simem:s6], [sflag:s4] =	dma.local [hbm:s3], $0xF7A  }
0x26: {  	[smem:$0x3F9F] =	sst s1;
	(tag) =	ssettag s2;
	_ =	strace s9  }
0x27: {  	s1 =	sld [smem:$0x3FAF]  }
0x28: {  	s2 =	sld [smem:$0x3FB0]  }
0x29: {  	s4 =	sld [smem:$0x3FB2]  }
0x2a: {  	p0 =	seq.s32 s5, $0x0;
	s5 =	sld [smem:$0x3FB3]  }
0x2b: {  	s6 =	sld [smem:$0x3FB4]  }
0x2c: {  	s7 =	sld [smem:$0x3FB5]  }
0x2d: {  	s3 =	simm.s32 $0x108;
	s8 =	sld [smem:$0x3FB6]  }
0x2e: {  	s3 =	simm.s32 @!p0 $0x1082;
	s9 =	sld [smem:$0x3FB7]  }
0x2f: {  	lr =	sadd.s32 s0, s3;
	s0 =	sld [smem:$0x3FAE]  }
0x30: {  	s3 =	sld [smem:$0x3FB1]  }
0x31: {  	[smem:$0x3FBA] =	sst s10  }
0x32: {  	s10 =	sld [smem:$0x3FB8];
	_ =	sdelay $0x3  }
0x33: {  	p0 =	seq.s32 s10, $0x1;
	s10 =	sld [smem:$0x3FBA];
	_ =	sdelay $0x3  }
0x34: {  	[smem:$0x3FBA] =	sst s10  }
0x35: {  	s10 =	sld [smem:$0x3FB9];
	_ =	sdelay $0x3  }
0x36: {  	p1 =	seq.s32 s10, $0x1;
	s10 =	sld [smem:$0x3FBA];
	_ =	sdelay $0x3  }
0x37: {  	[smem:$0x3FBA] =	sst s10  }
0x38: {  	s10 =	sld [smem:$0x3FBB]  }
0x39: {  	_ = 	snop;
	(pc) =	sbr.ind lr, $3  }
0x3a: {  	_ = 	snop  }
0x3b: {  	_ = 	snop  }
0x3c: {  	p2 =	seq.s32 s10, $0x1;
	s10 =	sld [smem:$0x3FBA]  }
0x3d: {  	_ =	shalt  }
0x3e: {  	_ =	shalt  }
0x3f: {  	_ =	shalt  }
0x40: {  	_ =	shalt  }
0x41: {  	_ =	shalt  }
0x42: {  	_ =	shalt  }
0x43: {  	_ =	shalt  }
0x44: {  	_ =	shalt  }
0x45: {  	_ =	shalt  }
0x46: {  	_ =	shalt  }
0x47: {  	_ =	shalt  }
0x48: {  	_ =	shalt  }
0x49: {  	_ =	shalt  }
0x4a: {  	_ =	shalt  }
0x4b: {  	_ =	shalt  }
0x4c: {  	_ =	shalt  }
0x4d: {  	_ =	shalt  }
0x4e: {  	_ =	shalt  }
0x4f: {  	_ =	shalt  }
0x50: {  	_ =	shalt  }
0x51: {  	_ =	shalt  }
0x52: {  	_ =	shalt  }
0x53: {  	_ =	shalt  }
0x54: {  	_ =	shalt  }
0x55: {  	_ =	shalt  }
0x56: {  	_ =	shalt  }
0x57: {  	_ =	shalt  }
0x58: {  	_ =	shalt  }
0x59: {  	_ =	shalt  }
0x5a: {  	_ =	shalt  }
0x5b: {  	_ =	shalt  }
0x5c: {  	_ =	shalt  }
0x5d: {  	_ =	shalt  }
0x5e: {  	_ =	shalt  }
0x5f: {  	_ =	shalt  }
0x60: {  	_ =	shalt  }
0x61: {  	_ =	shalt  }
0x62: {  	_ =	shalt  }
0x63: {  	_ =	shalt  }
0x64: {  	_ =	shalt  }
0x65: {  	_ =	shalt  }
0x66: {  	_ =	shalt  }
0x67: {  	_ =	shalt  }
0x68: {  	_ =	shalt  }
0x69: {  	_ =	shalt  }
0x6a: {  	_ =	shalt  }
0x6b: {  	_ =	shalt  }
0x6c: {  	_ =	shalt  }
0x6d: {  	_ =	shalt  }
0x6e: {  	_ =	shalt  }
0x6f: {  	_ =	shalt  }
0x70: {  	_ =	shalt  }
0x71: {  	_ =	shalt  }
0x72: {  	_ =	shalt  }
0x73: {  	_ =	shalt  }
0x74: {  	_ =	shalt  }
0x75: {  	_ =	shalt  }
0x76: {  	_ =	shalt  }
0x77: {  	_ =	shalt  }
0x78: {  	_ =	shalt  }
0x79: {  	_ =	shalt  }
0x7a: {  	_ =	shalt  }
0x7b: {  	_ =	shalt  }
0x7c: {  	_ =	shalt  }
0x7d: {  	_ =	shalt  }
0x7e: {  	_ =	shalt  }
0x7f: {  	_ =	shalt  }
0x80: {  	_ =	shalt  }
0x81: {  	_ =	shalt  }
0x82: {  	_ =	shalt  }
0x83: {  	_ =	shalt  }
0x84: {  	_ =	shalt  }
0x85: {  	_ =	shalt  }
0x86: {  	_ =	shalt  }
0x87: {  	_ =	shalt  }
.Lfunc_end0:
.L_simem_size_0:
called_computation_lowered:
.L_overlay_start_0:
0x88: {  	s2 =	sld [smem:$0x3FD9]  }
0x89: {  	s3 =	sld [smem:$0x3FFE];
	_ =	sdelay $0x1  }
0x8a: {  	s1 =	srdreg.scid  }
0x8b: {  	s0 =	sand.u32 $0x1, s1  }
0x8c: {  	s17 =	sshll.u32 s0, $0xA;
	s2 =	sadd.s32 s3, s2  }
0x8d: {  	s2 =	sadd.s32 s2, s17  }
0x8e: {  	[smem:$0x3FC6] =	sst s2  }
0x8f: {  	_ = 	snop  }
0x90: {  	s2 =	sld [smem:$0x3FC8]  }
0x91: {  	s18 =	sld [smem:$0x3FD0];
	(tm) =	ssettm $0x1  }
0x92: {  	s4 =	sld [smem:$0x3FFB];
	_ =	sdelay $0x3  }
0x93: {  	_ =	strace s4  }
0x94: {  	s4 =	sld [smem:$0x3FFC];
	_ =	sdelay $0x3  }
0x95: {  	_ =	strace s4  }
0x96: {  	s4 =	sld [smem:$0x3FFD];
	_ =	sdelay $0x3  }
0x97: {  	_ =	strace s4  }
0x98: {  	_ =	strace $0x8FFFFFFF  }
0x99: {  	s19 =	sld [smem:$0x3FDB];
	_ =	sdelay $0x1  }
0x9a: {  	s5 =	simm.s32 $_scs_section_size  }
0x9b: {  	s6 =	simm.s32 $_size__tile_overlayer_lowered;
	s7 =	simm.s32 $_tile_overlayer_lowered  }
0x9c: {  	s22 =	simm.s32 $0x1BFF;
	s21 =	sshll.u32 s7, $0x1;
	s4 =	sadd.s32 s5, s19  }
0x9d: {  	s8 =	simm.s32 $0x0;
	s20 =	sshll.u32 s6, $0x1;
	s6 =	sadd.s32 s21, s4  }
0x9e: {  	[timem:s8], [sflag:s22] =	dma.local [hbm:s6], s20  }
0x9f: {  	_ =	swait.ge [sflag:s22], s20  }
0xa0: {  	s5 =	ssub.s32 $0x0, s20;
	[sflag:s22] =	ssyncset.done $0x0  }
0xa1: {  	[sflag:s22] =	ssyncadd.s32 s5;
	_ =	sdelay $0x1  }
0xa2: {  	s23 =	simm.s32 $0x1B8B  }
0xa3: {  	_ =	swait.ge [sflag:s23], $0x1  }
0xa4: {  	[sflag:s23] =	ssyncset.done $0x0  }
0xa5: {  	s25 =	simm.s32 $0x1B8E;
	s24 =	sld [smem:$0x3FFE];
	[sflag:s23] =	ssyncadd.s32 $0xFFFFFFFF  }
0xa6: {  	s26 =	simm.s32 $execute0_lowered;
	[smem:$0x3FD2] =	sst s25  }
0xa7: {  	s6 =	sshll.u32 s26, $0x1;
	_ =	strace $0x80000046;
	[dreg:$0x1] =	wrdreg $0xFFFFFFFF  }
0xa8: {  	s28 =	simm.s32 $_size_execute0_lowered;
	s4 =	sadd.s32 s4, s6;
	[dreg:$0x0] =	wrdreg $0x0  }
0xa9: {  	s6 =	sshll.u32 s28, $0x1;
	[dreg:$0x2] =	wrdreg s4  }
0xaa: {  	[dreg:$0x3] =	wrdreg s6  }
0xab: {  	[dreg:$0x4] =	wrdreg $0xC0  }
0xac: {  	_ =	task [dreg:s8], $0x5FFFF  }
0xad: {  	[dreg:$0x1] =	wrdreg $0xFFFFFFFF  }
0xae: {  	[dreg:$0x0] =	wrdreg $0x60  }
0xaf: {  	[dreg:$0x2] =	wrdreg s24  }
0xb0: {  	[dreg:$0x3] =	wrdreg s2  }
0xb1: {  	[dreg:$0x4] =	wrdreg s18  }
0xb2: {  	[dreg:$0x5] =	wrdreg $0x9  }
0xb3: {  	_ =	task.clear_ibuf [dreg:s8], $0x6FFFF;
	_ =	strace $0x90000046  }
0xb4: {  	s29 =	simm.s32 $0x9;
	_ =	strace $0x80000048  }
0xb5: {  	_ =	swait.ge [sflag:s29], $0x1  }
0xb6: {  	[sflag:s29] =	ssyncadd.s32 $0xFFFFFFFF  }
0xb7: {  	_ =	strace $0x90000048  }
0xb8: {  	_ =	sfence  }
0xb9: {  	s30 =	sld [smem:$0x0];
	_ =	sdelay $0x2  }
0xba: {  	s31 =	sshll.u32 s1, $0xD;
	s1 =	sshrl.u32 s1, $0x2  }
0xbb: {  	s3 =	sand.u32 $0x4000, s31;
	s1 =	sadd.s32 s1, s30  }
0xbc: {  	s0 =	sor.u32 s3, s0;
	s1 =	sshll.u32 s1, $0x11  }
0xbd: {  	s0 =	sor.u32 s1, s0  }
0xbe: {  	s0 =	sadd.s32 $0x8F2B, s0  }
0xbf: {  	[sflag:s0] =	ssyncadd.remote.s32 $0x1  }
0xc0: {  	_ =	sfence.sel $0xFFFF  }
0xc1: {  	[dreg:$0x0] =	wrdreg $0xFFFFFFFF;
	(pc) =	sbr.abs _section_cstart, $3  }
0xc2: {  	[dreg:$0x1] =	wrdreg $0xFFFFFFFF  }
0xc3: {  	_ =	task.clear_ibuf [dreg:s8], $0x2FFFF;
	_ =	strace $0x9FFFFFFF  }
0xc4: {  	(tm) =	ssettm $0x7FFFFFFF  }
0xc5: {  	_ =	shalt  }
tec
execute0_lowered:
.L_overlay_start_1:
0x0: {  	(tag) =	ssettag $0x1  }
0x1: {  	s0 =	rddreg [dreg:$0x0]  }
0x2: {  	s1 =	srdreg.scid;
	s2 =	rddreg [dreg:$0x1]  }
0x3: {  	s7 =	stileid.u32;
	s8 =	rddreg [dreg:$0x2];
	s10 =	simm.s32 $0x4  }
0x4: {  	s11 =	simm.s32 $0x400;
	s28 =	simm.s32 $0x8400;
	s12 =	simm.s32 $0xB400  }
0x5: {  	s13 =	simm.s32 $0xBC00;
	s14 =	simm.s32 $0xC400;
	s15 =	simm.s32 $0xCC00  }
0x6: {  	s16 =	simm.s32 $0xD400;
	s17 =	simm.s32 $0xDC00;
	s18 =	simm.s32 $0xE400  }
0x7: {  	s19 =	simm.s32 $0xEC00;
	s20 =	simm.s32 $0xF400;
	s21 =	simm.s32 $0xFC00  }
0x8: {  	s22 =	simm.s32 $0x2;
	s23 =	simm.s32 $0x3;
	s24 =	simm.s32 $0x1  }
0x9: {  	s25 =	simm.s32 $0x0;
	s1 =	sand.u32 $0x1, s1;
	s3 =	sshll.u32 s7, $0xB  }
0xa: {  	s6 =	sadd.s32 $0x200, s2;
	s31 =	sshll.u32 s7, $0x12;
	s7 =	sadd.s32 $0x300, s2  }
0xb: {  	s4 =	sshll.u32 s1, $0xA;
	s5 =	ssub.s32 $0x2, s1;
	s1 =	sshll.u32 s1, $0x11  }
.Ltmp0:
0xc: {  	s4 =	sor.u32 s4, s3;
	s3 =	simm.s32 $0x0;
	(pc) =	sbr.rel .LBB2_1-.Ltmp0, $4  }
0xd: {  	s30 =	sshrl.u32 s5, $0x1;
	s4 =	sshrl.u32 s4, $0x3;
	[smem:$0x7FF] =	sst s3  }
0xe: {  	v2 =	vlaneseq.u32;
	s9 =	ssub.s32 s5, s30;
	s5 =	sadd.s32 $0x100, s2;
	s0 =	sadd.s32 s4, s0  }
0xf: {  	vm0 =	vmmov $0xffff;
	v1 =	vshrl.u32 v2, $0x3;
	_ =	strace $0x80000047;
	s4 =	sadd.s32 $0x400, s0;
	s0 =	sadd.s32 s31, s8  }
0x10: {  	v0 =	vand.u32 $0x7, v2;
	v2 =	vor.u32 $0x8, v2;
	v1 =	vmul.u32 $0x8, v1;
	s8 =	smax.u32 s9, $0x1;
	s29 =	sadd.s32 s1, s0;
	s0 =	simm.s32 $0xAC00  }
.LBB2_6:
0x11: {  	s25 =	sadd.s32 $0x1, s25  }
0x12: {  	p0 =	sne.s32 s25, s8  }
.Ltmp1:
0x13: {  	_ = 	snop;
	(pc) =	sbr.rel @!p0 .LBB2_7-.Ltmp1, $1  }
0x14: {  	_ =	sdelay $0x3  }
.LBB2_1:
0x15: {  	[tilespmem:s3], [sflag:$0x4] =	stream.linear.gather [hbm4b:s4+s3], $0x400, $0x38;
	[tilespmem:$0x10400] =	vst v63  }
0x16: {  	_ =	swait.ge [sflag:s10], $0x400  }
0x17: {  	[sflag:s10] =	ssyncset.done $0x0  }
0x18: {  	[sflag:s10] =	ssyncadd.s32 $0xFFFFFC00  }
0x19: {  	v3 =	vld [tilespmem:$0x0];
	_ =	sdelay $0x4  }
0x1a: {  	v4 =	vshll.u32 v3, $0x3  }
0x1b: {  	v3 =	vand.u32 $0x7, v3;
	v4 =	vand.u32 $0xFFFFFFC0, v4  }
0x1c: {  	v3 =	vor.u32 v3, v4  }
0x1d: {  	v4 =	vperm.xlane v3, v0;
	_ =	sdelay $0x1  }
0x1e: {  	v4 =	vadd.s32 v1, v4;
	_ =	sdelay $0x4  }
0x1f: {  	[tilespmem:s11], [sflag:$0x1] =	stream.indirect_vreg.gather [hbm4b:s2+s3], $0x80, v4, vm0, $0xb8;
	[tilespmem:$0x10400] =	vst v63  }
0x20: {  	s1 =	simm.s32 $0xC00;
	v3 =	vperm.xlane v3, v2  }
0x21: {  	[tilespmem:s1], [sflag:$0x1] =	stream.indirect_vreg.gather [hbm4b:s5+s3], $0x80, v4, vm0, $0xb8;
	[tilespmem:$0x10400] =	vst v63  }
0x22: {  	s9 =	simm.s32 $0x1400;
	v3 =	vadd.s32 v1, v3  }
0x23: {  	[tilespmem:s9], [sflag:$0x1] =	stream.indirect_vreg.gather [hbm4b:s6+s3], $0x80, v4, vm0, $0xb8;
	[tilespmem:$0x10400] =	vst v63  }
0x24: {  	s26 =	simm.s32 $0x1C00  }
0x25: {  	[tilespmem:s26], [sflag:$0x1] =	stream.indirect_vreg.gather [hbm4b:s7+s3], $0x80, v4, vm0, $0xb8;
	[tilespmem:$0x10400] =	vst v63  }
0x26: {  	s31 =	simm.s32 $0x2400  }
0x27: {  	[tilespmem:s31], [sflag:$0x1] =	stream.indirect_vreg.gather [hbm4b:s2+s3], $0x80, v3, vm0, $0xb8;
	[tilespmem:$0x10400] =	vst v63  }
0x28: {  	s9 =	simm.s32 $0x2C00  }
0x29: {  	[tilespmem:s9], [sflag:$0x1] =	stream.indirect_vreg.gather [hbm4b:s5+s3], $0x80, v3, vm0, $0xb8;
	[tilespmem:$0x10400] =	vst v63  }
0x2a: {  	s26 =	simm.s32 $0x3400  }
0x2b: {  	[tilespmem:s26], [sflag:$0x1] =	stream.indirect_vreg.gather [hbm4b:s6+s3], $0x80, v3, vm0, $0xb8;
	[tilespmem:$0x10400] =	vst v63  }
0x2c: {  	s31 =	simm.s32 $0x3C00  }
0x2d: {  	[tilespmem:s31], [sflag:$0x1] =	stream.indirect_vreg.gather [hbm4b:s7+s3], $0x80, v3, vm0, $0xb8;
	[tilespmem:$0x10400] =	vst v63  }
0x2e: {  	v3 =	vld [tilespmem:$0x10];
	_ =	sdelay $0x4  }
0x2f: {  	v61 =	vshll.u32 v3, $0x3  }
0x30: {  	v3 =	vand.u32 $0x7, v3;
	v4 =	vand.u32 $0xFFFFFFC0, v61  }
0x31: {  	v3 =	vor.u32 v3, v4  }
0x32: {  	v4 =	vperm.xlane v3, v0;
	_ =	sdelay $0x1  }
0x33: {  	v4 =	vadd.s32 v1, v4;
	_ =	sdelay $0x3  }
0x34: {  	s9 =	simm.s32 $0x4400  }
0x35: {  	[tilespmem:s9], [sflag:$0x1] =	stream.indirect_vreg.gather [hbm4b:s2+s3], $0x80, v4, vm0, $0xb8;
	[tilespmem:$0x10400] =	vst v63  }
0x36: {  	s26 =	simm.s32 $0x4C00;
	v3 =	vperm.xlane v3, v2  }
0x37: {  	[tilespmem:s26], [sflag:$0x1] =	stream.indirect_vreg.gather [hbm4b:s5+s3], $0x80, v4, vm0, $0xb8;
	[tilespmem:$0x10400] =	vst v63  }
0x38: {  	s31 =	simm.s32 $0x5400;
	v3 =	vadd.s32 v1, v3  }
0x39: {  	[tilespmem:s31], [sflag:$0x1] =	stream.indirect_vreg.gather [hbm4b:s6+s3], $0x80, v4, vm0, $0xb8;
	[tilespmem:$0x10400] =	vst v63  }
0x3a: {  	s9 =	simm.s32 $0x5C00  }
0x3b: {  	[tilespmem:s9], [sflag:$0x1] =	stream.indirect_vreg.gather [hbm4b:s7+s3], $0x80, v4, vm0, $0xb8;
	[tilespmem:$0x10400] =	vst v63  }
0x3c: {  	s26 =	simm.s32 $0x6400  }
0x3d: {  	[tilespmem:s26], [sflag:$0x1] =	stream.indirect_vreg.gather [hbm4b:s2+s3], $0x80, v3, vm0, $0xb8;
	[tilespmem:$0x10400] =	vst v63  }
0x3e: {  	s31 =	simm.s32 $0x6C00  }
0x3f: {  	[tilespmem:s31], [sflag:$0x1] =	stream.indirect_vreg.gather [hbm4b:s5+s3], $0x80, v3, vm0, $0xb8;
	[tilespmem:$0x10400] =	vst v63  }
0x40: {  	s9 =	simm.s32 $0x7400  }
0x41: {  	[tilespmem:s9], [sflag:$0x1] =	stream.indirect_vreg.gather [hbm4b:s6+s3], $0x80, v3, vm0, $0xb8;
	[tilespmem:$0x10400] =	vst v63  }
0x42: {  	s26 =	simm.s32 $0x7C00  }
0x43: {  	[tilespmem:s26], [sflag:$0x1] =	stream.indirect_vreg.gather [hbm4b:s7+s3], $0x80, v3, vm0, $0xb8;
	[tilespmem:$0x10400] =	vst v63  }
0x44: {  	v3 =	vld [tilespmem:$0x20];
	_ =	sdelay $0x4  }
0x45: {  	v62 =	vshll.u32 v3, $0x3  }
0x46: {  	v3 =	vand.u32 $0x7, v3;
	v4 =	vand.u32 $0xFFFFFFC0, v62  }
0x47: {  	v3 =	vor.u32 v3, v4  }
0x48: {  	v4 =	vperm.xlane v3, v0;
	_ =	sdelay $0x1  }
0x49: {  	v4 =	vadd.s32 v1, v4;
	_ =	sdelay $0x4  }
0x4a: {  	[tilespmem:s28], [sflag:$0x2] =	stream.indirect_vreg.gather [hbm4b:s2+s3], $0x80, v4, vm0, $0xb8;
	[tilespmem:$0x10400] =	vst v63  }
0x4b: {  	s31 =	simm.s32 $0x8C00;
	v3 =	vperm.xlane v3, v2  }
0x4c: {  	[tilespmem:s31], [sflag:$0x2] =	stream.indirect_vreg.gather [hbm4b:s5+s3], $0x80, v4, vm0, $0xb8;
	[tilespmem:$0x10400] =	vst v63  }
0x4d: {  	s9 =	simm.s32 $0x9400;
	v3 =	vadd.s32 v1, v3  }
0x4e: {  	[tilespmem:s9], [sflag:$0x2] =	stream.indirect_vreg.gather [hbm4b:s6+s3], $0x80, v4, vm0, $0xb8;
	[tilespmem:$0x10400] =	vst v63  }
0x4f: {  	s26 =	simm.s32 $0x9C00  }
0x50: {  	[tilespmem:s26], [sflag:$0x2] =	stream.indirect_vreg.gather [hbm4b:s7+s3], $0x80, v4, vm0, $0xb8;
	[tilespmem:$0x10400] =	vst v63  }
0x51: {  	s31 =	simm.s32 $0xA400  }
0x52: {  	[tilespmem:s31], [sflag:$0x2] =	stream.indirect_vreg.gather [hbm4b:s2+s3], $0x80, v3, vm0, $0xb8;
	[tilespmem:$0x10400] =	vst v63  }
0x53: {  	_ = 	snop  }
0x54: {  	[tilespmem:s0], [sflag:$0x2] =	stream.indirect_vreg.gather [hbm4b:s5+s3], $0x80, v3, vm0, $0xb8;
	[tilespmem:$0x10400] =	vst v63  }
0x55: {  	_ = 	snop  }
0x56: {  	[tilespmem:s12], [sflag:$0x2] =	stream.indirect_vreg.gather [hbm4b:s6+s3], $0x80, v3, vm0, $0xb8;
	[tilespmem:$0x10400] =	vst v63  }
0x57: {  	_ = 	snop  }
0x58: {  	[tilespmem:s13], [sflag:$0x2] =	stream.indirect_vreg.gather [hbm4b:s7+s3], $0x80, v3, vm0, $0xb8;
	[tilespmem:$0x10400] =	vst v63  }
0x59: {  	v3 =	vld [tilespmem:$0x30];
	_ =	sdelay $0x4  }
0x5a: {  	v63 =	vshll.u32 v3, $0x3  }
0x5b: {  	v3 =	vand.u32 $0x7, v3;
	v4 =	vand.u32 $0xFFFFFFC0, v63  }
0x5c: {  	v3 =	vor.u32 v3, v4  }
0x5d: {  	v4 =	vperm.xlane v3, v0;
	_ =	sdelay $0x1  }
0x5e: {  	v4 =	vadd.s32 v1, v4;
	_ =	sdelay $0x4  }
0x5f: {  	[tilespmem:s14], [sflag:$0x2] =	stream.indirect_vreg.gather [hbm4b:s2+s3], $0x80, v4, vm0, $0xb8;
	[tilespmem:$0x10400] =	vst v63  }
0x60: {  	v3 =	vperm.xlane v3, v2  }
0x61: {  	[tilespmem:s15], [sflag:$0x2] =	stream.indirect_vreg.gather [hbm4b:s5+s3], $0x80, v4, vm0, $0xb8;
	[tilespmem:$0x10400] =	vst v63  }
0x62: {  	v3 =	vadd.s32 v1, v3  }
0x63: {  	[tilespmem:s16], [sflag:$0x2] =	stream.indirect_vreg.gather [hbm4b:s6+s3], $0x80, v4, vm0, $0xb8;
	[tilespmem:$0x10400] =	vst v63  }
0x64: {  	_ = 	snop  }
0x65: {  	[tilespmem:s17], [sflag:$0x2] =	stream.indirect_vreg.gather [hbm4b:s7+s3], $0x80, v4, vm0, $0xb8;
	[tilespmem:$0x10400] =	vst v63  }
0x66: {  	_ = 	snop  }
0x67: {  	[tilespmem:s18], [sflag:$0x2] =	stream.indirect_vreg.gather [hbm4b:s2+s3], $0x80, v3, vm0, $0xb8;
	[tilespmem:$0x10400] =	vst v63  }
0x68: {  	_ = 	snop  }
0x69: {  	[tilespmem:s19], [sflag:$0x2] =	stream.indirect_vreg.gather [hbm4b:s5+s3], $0x80, v3, vm0, $0xb8;
	[tilespmem:$0x10400] =	vst v63  }
.Ltmp2:
0x6a: {  	_ = 	snop;
	(pc) =	sbr.rel .LBB2_2-.Ltmp2, $4  }
0x6b: {  	_ = 	snop  }
0x6c: {  	[tilespmem:s20], [sflag:$0x2] =	stream.indirect_vreg.gather [hbm4b:s6+s3], $0x80, v3, vm0, $0xb8;
	[tilespmem:$0x10400] =	vst v63  }
0x6d: {  	s30 =	simm.s32 $0x0;
	s9 =	smov.u32 s29;
	s26 =	simm.s32 $0x50  }
0x6e: {  	[tilespmem:s21], [sflag:$0x2] =	stream.indirect_vreg.gather [hbm4b:s7+s3], $0x80, v3, vm0, $0xb8;
	[tilespmem:$0x10400] =	vst v63  }
.LBB2_4:
0x6f: {  	_ =	swait.ge [sflag:s22], $0x8000  }
0x70: {  	[sflag:s22] =	ssyncset.done $0x0  }
0x71: {  	[sflag:s22] =	ssyncadd.s32 $0xFFFF8000  }
0x72: {  	[hbm4b:s9+s3] =	stream.linear.scatter [tilespmem:s28], [sflag:$0x3], $0x8000, $0x38;
	[tilespmem:$0x10400] =	vst v63  }
0x73: {  	_ =	swait.ge [sflag:s23], $0x8000  }
0x74: {  	[sflag:s23] =	ssyncset.done $0x0  }
0x75: {  	[sflag:s23] =	ssyncadd.s32 $0xFFFF8000  }
0x76: {  	v3 =	vld @!p0 [tilespmem:s26+$0xFFFFFFF0];
	_ =	sdelay $0x4  }
0x77: {  	v4 =	vshll.u32 @!p0 v3, $0x3  }
0x78: {  	v5 =	vlaneseq.u32 @!p0;
	v3 =	vand.u32 @!p0 $0x7, v3;
	v4 =	vand.u32 @!p0 $0xFFFFFFC0, v4  }
0x79: {  	v6 =	vshrl.u32 @!p0 v5, $0x3;
	v3 =	vor.u32 @!p0 v3, v4;
	v4 =	vand.u32 @!p0 $0x7, v5  }
0x7a: {  	v6 =	vmul.u32 @!p0 $0x8, v6;
	v7 =	vperm.xlane @!p0 v3, v4;
	_ =	sdelay $0x1  }
0x7b: {  	v7 =	vadd.s32 @!p0 v6, v7;
	_ =	sdelay $0x3  }
0x7c: {  	vm1 =	vmmov @!p0 $0xffff;
	s1 =	simm.s32 @!p0 $0x0;
	s31 =	simm.s32 @!p0 $0x8400  }
0x7d: {  	v5 =	vor.u32 @!p0 $0x8, v5;
	[tilespmem:s31], [sflag:$0x2] =	stream.indirect_vreg.gather @!p0 [hbm4b:s2+s1], $0x80, v7, vm1, $0xb8;
	[tilespmem:$0x10400] =	vst v63  }
0x7e: {  	v3 =	vperm.xlane @!p0 v3, v5;
	s31 =	simm.s32 @!p0 $0x8C00  }
0x7f: {  	[tilespmem:s31], [sflag:$0x2] =	stream.indirect_vreg.gather @!p0 [hbm4b:s5+s1], $0x80, v7, vm1, $0xb8;
	[tilespmem:$0x10400] =	vst v63  }
0x80: {  	v3 =	vadd.s32 @!p0 v6, v3;
	s31 =	simm.s32 @!p0 $0x9400  }
0x81: {  	[tilespmem:s31], [sflag:$0x2] =	stream.indirect_vreg.gather @!p0 [hbm4b:s6+s1], $0x80, v7, vm1, $0xb8;
	[tilespmem:$0x10400] =	vst v63  }
0x82: {  	s31 =	simm.s32 @!p0 $0x9C00  }
0x83: {  	[tilespmem:s31], [sflag:$0x2] =	stream.indirect_vreg.gather @!p0 [hbm4b:s7+s1], $0x80, v7, vm1, $0xb8;
	[tilespmem:$0x10400] =	vst v63  }
0x84: {  	s31 =	simm.s32 @!p0 $0xA400  }
0x85: {  	[tilespmem:s31], [sflag:$0x2] =	stream.indirect_vreg.gather @!p0 [hbm4b:s2+s1], $0x80, v3, vm1, $0xb8;
	[tilespmem:$0x10400] =	vst v63  }
0x86: {  	s31 =	simm.s32 @!p0 $0xAC00  }
0x87: {  	[tilespmem:s31], [sflag:$0x2] =	stream.indirect_vreg.gather @!p0 [hbm4b:s5+s1], $0x80, v3, vm1, $0xb8;
	[tilespmem:$0x10400] =	vst v63  }
0x88: {  	s31 =	simm.s32 @!p0 $0xB400  }
0x89: {  	[tilespmem:s31], [sflag:$0x2] =	stream.indirect_vreg.gather @!p0 [hbm4b:s6+s1], $0x80, v3, vm1, $0xb8;
	[tilespmem:$0x10400] =	vst v63  }
0x8a: {  	s31 =	simm.s32 @!p0 $0xBC00  }
0x8b: {  	[tilespmem:s31], [sflag:$0x2] =	stream.indirect_vreg.gather @!p0 [hbm4b:s7+s1], $0x80, v3, vm1, $0xb8;
	[tilespmem:$0x10400] =	vst v63  }
0x8c: {  	v3 =	vld @!p0 [tilespmem:s26+$0x0];
	_ =	sdelay $0x4  }
0x8d: {  	v7 =	vshll.u32 @!p0 v3, $0x3  }
0x8e: {  	v3 =	vand.u32 @!p0 $0x7, v3;
	v7 =	vand.u32 @!p0 $0xFFFFFFC0, v7  }
0x8f: {  	v3 =	vor.u32 @!p0 v3, v7  }
0x90: {  	v4 =	vperm.xlane @!p0 v3, v4;
	_ =	sdelay $0x1  }
0x91: {  	v4 =	vadd.s32 @!p0 v6, v4;
	_ =	sdelay $0x3  }
0x92: {  	s31 =	simm.s32 @!p0 $0xC400  }
0x93: {  	[tilespmem:s31], [sflag:$0x2] =	stream.indirect_vreg.gather @!p0 [hbm4b:s2+s1], $0x80, v4, vm1, $0xb8;
	[tilespmem:$0x10400] =	vst v63  }
0x94: {  	v3 =	vperm.xlane @!p0 v3, v5;
	s31 =	simm.s32 @!p0 $0xCC00  }
0x95: {  	[tilespmem:s31], [sflag:$0x2] =	stream.indirect_vreg.gather @!p0 [hbm4b:s5+s1], $0x80, v4, vm1, $0xb8;
	[tilespmem:$0x10400] =	vst v63  }
0x96: {  	v3 =	vadd.s32 @!p0 v6, v3;
	s31 =	simm.s32 @!p0 $0xD400  }
0x97: {  	[tilespmem:s31], [sflag:$0x2] =	stream.indirect_vreg.gather @!p0 [hbm4b:s6+s1], $0x80, v4, vm1, $0xb8;
	[tilespmem:$0x10400] =	vst v63  }
0x98: {  	s31 =	simm.s32 @!p0 $0xDC00  }
0x99: {  	[tilespmem:s31], [sflag:$0x2] =	stream.indirect_vreg.gather @!p0 [hbm4b:s7+s1], $0x80, v4, vm1, $0xb8;
	[tilespmem:$0x10400] =	vst v63  }
0x9a: {  	s31 =	simm.s32 @!p0 $0xE400  }
0x9b: {  	[tilespmem:s31], [sflag:$0x2] =	stream.indirect_vreg.gather @!p0 [hbm4b:s2+s1], $0x80, v3, vm1, $0xb8;
	[tilespmem:$0x10400] =	vst v63  }
0x9c: {  	s31 =	simm.s32 @!p0 $0xEC00  }
0x9d: {  	[tilespmem:s31], [sflag:$0x2] =	stream.indirect_vreg.gather @!p0 [hbm4b:s5+s1], $0x80, v3, vm1, $0xb8;
	[tilespmem:$0x10400] =	vst v63  }
0x9e: {  	s31 =	simm.s32 @!p0 $0xF400  }
0x9f: {  	[tilespmem:s31], [sflag:$0x2] =	stream.indirect_vreg.gather @!p0 [hbm4b:s6+s1], $0x80, v3, vm1, $0xb8;
	[tilespmem:$0x10400] =	vst v63  }
0xa0: {  	s31 =	simm.s32 @!p0 $0xFC00  }
0xa1: {  	[tilespmem:s31], [sflag:$0x2] =	stream.indirect_vreg.gather @!p0 [hbm4b:s7+s1], $0x80, v3, vm1, $0xb8;
	[tilespmem:$0x10400] =	vst v63  }
.LBB2_5:
0xa2: {  	s30 =	sadd.s32 $0x1, s30  }
0xa3: {  	p0 =	sne.s32 s30, $0x20  }
.Ltmp3:
0xa4: {  	_ = 	snop;
	(pc) =	sbr.rel @!p0 .LBB2_6-.Ltmp3, $2  }
0xa5: {  	_ =	sdelay $0x2  }
0xa6: {  	s26 =	sadd.s32 $0x20, s26;
	s9 =	sadd.s32 $0x1000, s9  }
.LBB2_2:
0xa7: {  	s31 =	sand.u32 $0x1, s30  }
0xa8: {  	p1 =	seq.s32 s31, $0x1  }
.Ltmp4:
0xa9: {  	_ = 	snop;
	(pc) =	sbr.rel @p1 .LBB2_4-.Ltmp4, $2  }
0xaa: {  	_ =	sdelay $0x2  }
0xab: {  	p0 =	sgt.u32 s30, $0x1D  }
0xac: {  	_ =	swait.ge [sflag:s24], $0x8000  }
0xad: {  	[sflag:s24] =	ssyncset.done $0x0  }
0xae: {  	[sflag:s24] =	ssyncadd.s32 $0xFFFF8000  }
0xaf: {  	[hbm4b:s9+s3] =	stream.linear.scatter [tilespmem:s11], [sflag:$0x3], $0x8000, $0x38;
	[tilespmem:$0x10400] =	vst v63  }
0xb0: {  	_ =	swait.ge [sflag:s23], $0x8000  }
0xb1: {  	[sflag:s23] =	ssyncset.done $0x0  }
0xb2: {  	[sflag:s23] =	ssyncadd.s32 $0xFFFF8000  }
0xb3: {  	v3 =	vld @!p0 [tilespmem:s26+$0xFFFFFFF0];
	_ =	sdelay $0x4  }
0xb4: {  	v4 =	vshll.u32 @!p0 v3, $0x3  }
0xb5: {  	v5 =	vlaneseq.u32 @!p0;
	v3 =	vand.u32 @!p0 $0x7, v3;
	v4 =	vand.u32 @!p0 $0xFFFFFFC0, v4  }
0xb6: {  	v6 =	vshrl.u32 @!p0 v5, $0x3;
	v3 =	vor.u32 @!p0 v3, v4;
	v4 =	vand.u32 @!p0 $0x7, v5  }
0xb7: {  	v6 =	vmul.u32 @!p0 $0x8, v6;
	v7 =	vperm.xlane @!p0 v3, v4;
	_ =	sdelay $0x1  }
0xb8: {  	v7 =	vadd.s32 @!p0 v6, v7;
	_ =	sdelay $0x3  }
0xb9: {  	vm1 =	vmmov @!p0 $0xffff;
	s31 =	simm.s32 @!p0 $0x0;
	s1 =	simm.s32 @!p0 $0x400  }
0xba: {  	v5 =	vor.u32 @!p0 $0x8, v5;
	[tilespmem:s1], [sflag:$0x1] =	stream.indirect_vreg.gather @!p0 [hbm4b:s2+s31], $0x80, v7, vm1, $0xb8;
	[tilespmem:$0x10400] =	vst v63  }
0xbb: {  	v3 =	vperm.xlane @!p0 v3, v5;
	s1 =	simm.s32 @!p0 $0xC00  }
0xbc: {  	[tilespmem:s1], [sflag:$0x1] =	stream.indirect_vreg.gather @!p0 [hbm4b:s5+s31], $0x80, v7, vm1, $0xb8;
	[tilespmem:$0x10400] =	vst v63  }
0xbd: {  	v3 =	vadd.s32 @!p0 v6, v3;
	s1 =	simm.s32 @!p0 $0x1400  }
0xbe: {  	[tilespmem:s1], [sflag:$0x1] =	stream.indirect_vreg.gather @!p0 [hbm4b:s6+s31], $0x80, v7, vm1, $0xb8;
	[tilespmem:$0x10400] =	vst v63  }
0xbf: {  	s1 =	simm.s32 @!p0 $0x1C00  }
0xc0: {  	[tilespmem:s1], [sflag:$0x1] =	stream.indirect_vreg.gather @!p0 [hbm4b:s7+s31], $0x80, v7, vm1, $0xb8;
	[tilespmem:$0x10400] =	vst v63  }
0xc1: {  	s1 =	simm.s32 @!p0 $0x2400  }
0xc2: {  	[tilespmem:s1], [sflag:$0x1] =	stream.indirect_vreg.gather @!p0 [hbm4b:s2+s31], $0x80, v3, vm1, $0xb8;
	[tilespmem:$0x10400] =	vst v63  }
0xc3: {  	s1 =	simm.s32 @!p0 $0x2C00  }
0xc4: {  	[tilespmem:s1], [sflag:$0x1] =	stream.indirect_vreg.gather @!p0 [hbm4b:s5+s31], $0x80, v3, vm1, $0xb8;
	[tilespmem:$0x10400] =	vst v63  }
0xc5: {  	s1 =	simm.s32 @!p0 $0x3400  }
0xc6: {  	[tilespmem:s1], [sflag:$0x1] =	stream.indirect_vreg.gather @!p0 [hbm4b:s6+s31], $0x80, v3, vm1, $0xb8;
	[tilespmem:$0x10400] =	vst v63  }
0xc7: {  	s1 =	simm.s32 @!p0 $0x3C00  }
0xc8: {  	[tilespmem:s1], [sflag:$0x1] =	stream.indirect_vreg.gather @!p0 [hbm4b:s7+s31], $0x80, v3, vm1, $0xb8;
	[tilespmem:$0x10400] =	vst v63  }
0xc9: {  	v3 =	vld @!p0 [tilespmem:s26+$0x0];
	_ =	sdelay $0x4  }
0xca: {  	v7 =	vshll.u32 @!p0 v3, $0x3  }
0xcb: {  	v3 =	vand.u32 @!p0 $0x7, v3;
	v7 =	vand.u32 @!p0 $0xFFFFFFC0, v7  }
0xcc: {  	v3 =	vor.u32 @!p0 v3, v7  }
0xcd: {  	v4 =	vperm.xlane @!p0 v3, v4;
	_ =	sdelay $0x1  }
0xce: {  	v4 =	vadd.s32 @!p0 v6, v4;
	_ =	sdelay $0x3  }
0xcf: {  	s1 =	simm.s32 @!p0 $0x4400  }
0xd0: {  	[tilespmem:s1], [sflag:$0x1] =	stream.indirect_vreg.gather @!p0 [hbm4b:s2+s31], $0x80, v4, vm1, $0xb8;
	[tilespmem:$0x10400] =	vst v63  }
0xd1: {  	v3 =	vperm.xlane @!p0 v3, v5;
	s1 =	simm.s32 @!p0 $0x4C00  }
0xd2: {  	[tilespmem:s1], [sflag:$0x1] =	stream.indirect_vreg.gather @!p0 [hbm4b:s5+s31], $0x80, v4, vm1, $0xb8;
	[tilespmem:$0x10400] =	vst v63  }
0xd3: {  	v3 =	vadd.s32 @!p0 v6, v3;
	s1 =	simm.s32 @!p0 $0x5400  }
0xd4: {  	[tilespmem:s1], [sflag:$0x1] =	stream.indirect_vreg.gather @!p0 [hbm4b:s6+s31], $0x80, v4, vm1, $0xb8;
	[tilespmem:$0x10400] =	vst v63  }
0xd5: {  	s1 =	simm.s32 @!p0 $0x5C00  }
0xd6: {  	[tilespmem:s1], [sflag:$0x1] =	stream.indirect_vreg.gather @!p0 [hbm4b:s7+s31], $0x80, v4, vm1, $0xb8;
	[tilespmem:$0x10400] =	vst v63  }
0xd7: {  	s1 =	simm.s32 @!p0 $0x6400  }
0xd8: {  	[tilespmem:s1], [sflag:$0x1] =	stream.indirect_vreg.gather @!p0 [hbm4b:s2+s31], $0x80, v3, vm1, $0xb8;
	[tilespmem:$0x10400] =	vst v63  }
0xd9: {  	s1 =	simm.s32 @!p0 $0x6C00  }
0xda: {  	[tilespmem:s1], [sflag:$0x1] =	stream.indirect_vreg.gather @!p0 [hbm4b:s5+s31], $0x80, v3, vm1, $0xb8;
	[tilespmem:$0x10400] =	vst v63  }
.Ltmp5:
0xdb: {  	_ = 	snop;
	(pc) =	sbr.rel .LBB2_5-.Ltmp5, $4  }
0xdc: {  	s1 =	simm.s32 @!p0 $0x7400  }
0xdd: {  	[tilespmem:s1], [sflag:$0x1] =	stream.indirect_vreg.gather @!p0 [hbm4b:s6+s31], $0x80, v3, vm1, $0xb8;
	[tilespmem:$0x10400] =	vst v63  }
0xde: {  	s1 =	simm.s32 @!p0 $0x7C00  }
0xdf: {  	[tilespmem:s1], [sflag:$0x1] =	stream.indirect_vreg.gather @!p0 [hbm4b:s7+s31], $0x80, v3, vm1, $0xb8;
	[tilespmem:$0x10400] =	vst v63  }
.LBB2_7:
0xe0: {  	_ =	sfence.sel $0x180000  }
0xe1: {  	[bflag:$0x0] =	sbarrier.arrive $0xFFFF  }
0xe2: {  	_ =	strace $0x90000047  }
0xe3: {  	s0 =	stileid.u32;
	[bflag:$0x2] =	sbarrier.arrive $0xFFFF  }
0xe4: {  	p0 =	sne.s32 s0, $0x0;
	s0 =	rddreg [dreg:$0x3]  }
0xe5: {  	s0 =	sadd.s32 @!p0 $0x100000, s0  }
0xe6: {  	[sflag:s0] =	ssyncadd.tile.s32 @!p0 $0x1;
	_ =	shalt  }
.Lfunc_end2:
_tile_overlayer_lowered:
.L_overlay_start_2:
0xe7: {  	(tag) =	ssettag $0x2  }
0xe8: {  	s0 =	rddreg [dreg:$0x0];
	s2 =	stileid.u32  }
0xe9: {  	s1 =	rddreg [dreg:$0x1];
	p0 =	sne.s32 s2, $0x0  }
0xea: {  	s3 =	rddreg [dreg:$0x2];
	[bflag:$0x3] =	sbarrier.arrive $0xFFFF;
	s2 =	simm.s32 @!p0 $0x1C04  }
0xeb: {  	[timem:s3], [sflag:s2] =	dma.local @!p0 [hbm:s0], s1  }
0xec: {  	s0 =	simm.s32 @!p0 $0x4  }
0xed: {  	_ =	swait.ge @!p0 [sflag:s0], s1  }
0xee: {  	s1 =	ssub.s32 @!p0 $0x0, s1;
	[sflag:s0] =	ssyncset.done @!p0 $0x0  }
0xef: {  	[sflag:s0] =	ssyncadd.s32 @!p0 s1  }
0xf0: {  	[bflag:$0x3] =	sbarrier.arrive $0xFFFF  }
0xf1: {  	_ =	shalt  }

</sc_bundles>
